<compile_context>
chip_gen: v7x
topology: tpu7x:2x2x1
jax: 0.10.2.dev20260603
libtpu: 0.0.44.dev20260713+nightly
codegen_flags: <defaults>
</compile_context>

<pallas_src>
import functools

import jax
import jax.numpy as jnp
from jax.experimental import pallas as pl
from jax.experimental.pallas import tpu as pltpu

EPS = 1e-20


def _fused_block(k_count, scal_ref, self_ref, neigh_ref, gu_ref,
                 attw_ref, nw_ref, sw_ref, g_ref, h_ref, out_ref, ew_ref):
    K = int(k_count)
    s = self_ref[...]
    q = jnp.dot(s, attw_ref[...], preferred_element_type=jnp.float32)

    nb = neigh_ref[...]
    qt = jnp.concatenate([q] * K, axis=1)
    ew = jnp.dot(nb * qt, g_ref[...],
                 preferred_element_type=jnp.float32)
    ew_ref[...] = ew

    inv_t = 1.0 / scal_ref[0]
    top_k = scal_ref[1]
    g = -jnp.log(-jnp.log(gu_ref[...] + EPS) + EPS)
    v = (ew + g) * inv_t
    v = v - jnp.max(v, axis=-1, keepdims=True)
    e = jnp.exp(v)
    mv = e / jnp.sum(e, axis=-1, keepdims=True)

    cnt = jnp.zeros_like(mv)
    for kk in range(K):
        cnt = cnt + (mv[:, kk:kk + 1] > mv).astype(jnp.float32)
    mask = (cnt < top_k).astype(jnp.float32)
    support = mv * mask * (1.0 / k_count)

    st = jnp.dot(support, g_ref[...].T,
                 preferred_element_type=jnp.float32)
    nm = jnp.dot(nb * st, h_ref[...],
                 preferred_element_type=jnp.float32)
    fn = jnp.dot(nm, nw_ref[...], preferred_element_type=jnp.float32)
    fs = jnp.dot(s, sw_ref[...], preferred_element_type=jnp.float32)
    out_ref[...] = jnp.maximum(fs + fn, 0.0)


def kernel(self_vecs, neigh_vecs, temperature, gumbel_u, att_weights,
           neigh_weights, self_weights, top_k):
    n, k, d = neigh_vecs.shape
    o = neigh_weights.shape[1]
    block = 200
    grid = (n // block,)

    neigh2 = neigh_vecs.reshape(n, k * d)
    j = jnp.arange(k * d)
    gmat = (j[:, None] // d == jnp.arange(k)[None, :]).astype(jnp.float32)
    hmat = (j[:, None] % d == jnp.arange(d)[None, :]).astype(jnp.float32)

    scalars = jnp.stack([temperature.astype(jnp.float32),
                         jnp.asarray(top_k, jnp.float32)])
    body = functools.partial(_fused_block, float(k))
    out, ew = pl.pallas_call(
        body,
        grid=grid,
        in_specs=[
            pl.BlockSpec(memory_space=pltpu.SMEM),
            pl.BlockSpec((block, d), lambda i: (i, 0)),
            pl.BlockSpec((block, k * d), lambda i: (i, 0)),
            pl.BlockSpec((block, k), lambda i: (i, 0)),
            pl.BlockSpec((d, d), lambda i: (0, 0)),
            pl.BlockSpec((d, o), lambda i: (0, 0)),
            pl.BlockSpec((d, o), lambda i: (0, 0)),
            pl.BlockSpec((k * d, k), lambda i: (0, 0)),
            pl.BlockSpec((k * d, d), lambda i: (0, 0)),
        ],
        out_specs=[
            pl.BlockSpec((block, o), lambda i: (i, 0)),
            pl.BlockSpec((block, k), lambda i: (i, 0)),
        ],
        out_shape=[
            jax.ShapeDtypeStruct((n, o), jnp.float32),
            jax.ShapeDtypeStruct((n, k), jnp.float32),
        ],
    )(scalars, self_vecs, neigh2, gumbel_u,
      att_weights, neigh_weights, self_weights, gmat, hmat)
    return (out, ew)

# --- scband reference (transcript-rebuilt; emitter-appended) ---
"""Pipeline reference for scband-mean-aggregator-26963804685000 (READ-ONLY COPY).

The authoritative reference and input builder live on the scoring server;
editing this copy changes nothing except your own understanding.
"""

import jax, jax.numpy as jnp
import numpy as np

EPS = 1e-20

N, K, D, O, TOP_K = 10000, 32, 128, 128, 8


def setup_inputs(seed: int = 0) -> dict:
    key = jax.random.key(seed)
    k1, k2, k3, k4, k5, k6 = jax.random.split(key, 6)
    return {
        "self_vecs": jax.random.normal(k1, (N, D), dtype=jnp.float32),
        "neigh_vecs": jax.random.normal(k2, (N, K, D), dtype=jnp.float32),
        "temperature": jnp.ones((), dtype=jnp.float32),
        "gumbel_u": jax.random.uniform(k3, (N, K), dtype=jnp.float32, minval=0.0, maxval=1.0),
        "att_weights": jax.random.normal(k4, (D, D), dtype=jnp.float32) * 0.05,
        "neigh_weights": jax.random.normal(k5, (D, O), dtype=jnp.float32) * 0.05,
        "self_weights": jax.random.normal(k6, (D, O), dtype=jnp.float32) * 0.05,
        "top_k": TOP_K,
    }


def reference(self_vecs, neigh_vecs, temperature, gumbel_u, att_weights, neigh_weights, self_weights, top_k):
    # attention module: bilinear score between each neighbor and the self vector
    q = self_vecs @ att_weights                                   # [N, D]
    edge_weight = jnp.einsum('nkd,nd->nk', neigh_vecs, q)         # [N, K]
    pi = jax.nn.softmax(edge_weight, axis=-1)                     # [N, K]
    # gumbel_softmax_sample (training branch: log(logits) + gumbel noise)
    g = -jnp.log(-jnp.log(gumbel_u + EPS) + EPS)                  # Gumbel(0,1)
    values = (jnp.log(pi) + g) / temperature
    mask_values = jax.nn.softmax(values, axis=-1)                 # [N, K]
    # top-k threshold mask
    k_static = mask_values.shape[-1]
    sorted_vals, _ = jax.lax.top_k(mask_values, k_static)         # [N, K] descending
    kth = sorted_vals[:, top_k - 1][:, None]                      # [N, 1]
    mask2 = (mask_values >= kth).astype(jnp.float32)              # [N, K]
    # weighted=True branch
    dense_support = mask_values * mask2                           # [N, K]
    masked_neigh_vecs = dense_support[..., None] * neigh_vecs     # [N, K, D]
    neigh_means = jnp.mean(masked_neigh_vecs, axis=1)             # [N, D]
    from_neighs = neigh_means @ neigh_weights                     # [N, O]
    from_self = self_vecs @ self_weights                          # [N, O]
    output = jax.nn.relu(from_self + from_neighs)                 # concat=False, bias=False, act=relu
    return (output, edge_weight)

if __name__ == "__main__":
    import jax
    _d = setup_inputs()
    print(jax.jit(kernel)(*tuple(_d.values())))

</pallas_src>

<mosaic_0001>
module attributes {stable_mosaic.version = 14 : i64} {
  func.func @_fused_block(%arg0: i32, %arg1: memref<2xf32, #tpu.memory_space<smem>>, %arg2: memref<200x128xf32, #tpu.memory_space<vmem>>, %arg3: memref<200x4096xf32, #tpu.memory_space<vmem>>, %arg4: memref<200x32xf32, #tpu.memory_space<vmem>>, %arg5: memref<128x128xf32, #tpu.memory_space<vmem>>, %arg6: memref<128x128xf32, #tpu.memory_space<vmem>>, %arg7: memref<128x128xf32, #tpu.memory_space<vmem>>, %arg8: memref<4096x32xf32, #tpu.memory_space<vmem>>, %arg9: memref<4096x128xf32, #tpu.memory_space<vmem>>, %arg10: memref<200x128xf32, #tpu.memory_space<vmem>>, %arg11: memref<200x32xf32, #tpu.memory_space<vmem>>) attributes {dimension_semantics = [#tpu.dimension_semantics<arbitrary>], iteration_bounds = array<i64: 50>, scalar_prefetch = 0 : i64, scratch_operands = 0 : i64, tpu.core_type = #tpu.core_type<tc>, window_params = [{transform_indices = @transform_0, window_bounds = array<i64: 2>}, {transform_indices = @transform_1, window_bounds = array<i64: 200, 128>}, {transform_indices = @transform_2, window_bounds = array<i64: 200, 4096>}, {transform_indices = @transform_3, window_bounds = array<i64: 200, 32>}, {pipeline_mode = #tpu.pipeline_mode<synchronous>, transform_indices = @transform_4, window_bounds = array<i64: 128, 128>}, {pipeline_mode = #tpu.pipeline_mode<synchronous>, transform_indices = @transform_5, window_bounds = array<i64: 128, 128>}, {pipeline_mode = #tpu.pipeline_mode<synchronous>, transform_indices = @transform_6, window_bounds = array<i64: 128, 128>}, {pipeline_mode = #tpu.pipeline_mode<synchronous>, transform_indices = @transform_7, window_bounds = array<i64: 4096, 32>}, {pipeline_mode = #tpu.pipeline_mode<synchronous>, transform_indices = @transform_8, window_bounds = array<i64: 4096, 128>}, {transform_indices = @transform_9, window_bounds = array<i64: 200, 128>}, {transform_indices = @transform_10, window_bounds = array<i64: 200, 32>}]} {
    %get3A = arith.constant 0 : index
    %get3A_0 = arith.constant 0 : index
    %get3A_1 = vector.load %arg2[%get3A, %get3A_0] : memref<200x128xf32, #tpu.memory_space<vmem>>, vector<200x128xf32>
    %get3A_2 = arith.constant 0 : index
    %get3A_3 = arith.constant 0 : index
    %get3A_4 = vector.load %arg5[%get3A_2, %get3A_3] : memref<128x128xf32, #tpu.memory_space<vmem>>, vector<128x128xf32>
    %dot_general3A = arith.constant dense<0.000000e+00> : vector<200x128xf32>
    %dot_general3A_5 = tpu.matmul %get3A_1, %get3A_4, %dot_general3A {dimension_numbers = #tpu.dot_dimension_numbers<[1], [0], [0], [1], [0, 0, 1, 1], [], []>, transpose_lhs_hint = false} : vector<200x128xf32>, vector<128x128xf32>, vector<200x128xf32> -> vector<200x128xf32>
    %get3A_6 = arith.constant 0 : index
    %get3A_7 = arith.constant 0 : index
    %get3A_8 = vector.load %arg3[%get3A_6, %get3A_7] : memref<200x4096xf32, #tpu.memory_space<vmem>>, vector<200x4096xf32>
    %concatenate3A = tpu.concatenate %dot_general3A_5, %dot_general3A_5, %dot_general3A_5, %dot_general3A_5, %dot_general3A_5, %dot_general3A_5, %dot_general3A_5, %dot_general3A_5, %dot_general3A_5, %dot_general3A_5, %dot_general3A_5, %dot_general3A_5, %dot_general3A_5, %dot_general3A_5, %dot_general3A_5, %dot_general3A_5, %dot_general3A_5, %dot_general3A_5, %dot_general3A_5, %dot_general3A_5, %dot_general3A_5, %dot_general3A_5, %dot_general3A_5, %dot_general3A_5, %dot_general3A_5, %dot_general3A_5, %dot_general3A_5, %dot_general3A_5, %dot_general3A_5, %dot_general3A_5, %dot_general3A_5, %dot_general3A_5 in 1 : vector<200x128xf32>, vector<200x128xf32>, vector<200x128xf32>, vector<200x128xf32>, vector<200x128xf32>, vector<200x128xf32>, vector<200x128xf32>, vector<200x128xf32>, vector<200x128xf32>, vector<200x128xf32>, vector<200x128xf32>, vector<200x128xf32>, vector<200x128xf32>, vector<200x128xf32>, vector<200x128xf32>, vector<200x128xf32>, vector<200x128xf32>, vector<200x128xf32>, vector<200x128xf32>, vector<200x128xf32>, vector<200x128xf32>, vector<200x128xf32>, vector<200x128xf32>, vector<200x128xf32>, vector<200x128xf32>, vector<200x128xf32>, vector<200x128xf32>, vector<200x128xf32>, vector<200x128xf32>, vector<200x128xf32>, vector<200x128xf32>, vector<200x128xf32> -> vector<200x4096xf32>
    %mul3A = arith.mulf %get3A_8, %concatenate3A : vector<200x4096xf32>
    %get3A_9 = arith.constant 0 : index
    %get3A_10 = arith.constant 0 : index
    %get3A_11 = vector.load %arg8[%get3A_9, %get3A_10] : memref<4096x32xf32, #tpu.memory_space<vmem>>, vector<4096x32xf32>
    %dot_general3A_12 = arith.constant dense<0.000000e+00> : vector<200x32xf32>
    %dot_general3A_13 = tpu.matmul %mul3A, %get3A_11, %dot_general3A_12 {dimension_numbers = #tpu.dot_dimension_numbers<[1], [0], [0], [1], [0, 0, 1, 1], [], []>, transpose_lhs_hint = false} : vector<200x4096xf32>, vector<4096x32xf32>, vector<200x32xf32> -> vector<200x32xf32>
    %swap3A = arith.constant 0 : index
    %swap3A_14 = arith.constant 0 : index
    %swap3A_15 = vector.load %arg11[%swap3A, %swap3A_14] : memref<200x32xf32, #tpu.memory_space<vmem>>, vector<200x32xf32>
    tpu.vector_store %arg11[%swap3A, %swap3A_14], %dot_general3A_13 {strides = array<i32>} : memref<200x32xf32, #tpu.memory_space<vmem>>, vector<200x32xf32>,
    %get3A_16 = arith.constant 0 : index
    %get3A_17 = memref.load %arg1[%get3A_16] : memref<2xf32, #tpu.memory_space<smem>>
    %div3A = arith.constant 1.000000e+00 : f32
    %div3A_18 = arith.divf %div3A, %get3A_17 : f32
    %get3A_19 = arith.constant 1 : index
    %get3A_20 = memref.load %arg1[%get3A_19] : memref<2xf32, #tpu.memory_space<smem>>
    %get3A_21 = arith.constant 0 : index
    %get3A_22 = arith.constant 0 : index
    %get3A_23 = vector.load %arg4[%get3A_21, %get3A_22] : memref<200x32xf32, #tpu.memory_space<vmem>>, vector<200x32xf32>
    %add3A = arith.constant 9.99999968E-21 : f32
    %add3A_24 = vector.broadcast %add3A : f32 to vector<200x32xf32>
    %add3A_25 = arith.addf %get3A_23, %add3A_24 : vector<200x32xf32>
    %log3A = math.log %add3A_25 : vector<200x32xf32>
    %neg3A = arith.constant 0.000000e+00 : f32
    %neg3A_26 = vector.broadcast %neg3A : f32 to vector<200x32xf32>
    %neg3A_27 = arith.subf %neg3A_26, %log3A : vector<200x32xf32>
    %add3A_28 = arith.constant 9.99999968E-21 : f32
    %add3A_29 = vector.broadcast %add3A_28 : f32 to vector<200x32xf32>
    %add3A_30 = arith.addf %neg3A_27, %add3A_29 : vector<200x32xf32>
    %log3A_31 = math.log %add3A_30 : vector<200x32xf32>
    %neg3A_32 = arith.constant 0.000000e+00 : f32
    %neg3A_33 = vector.broadcast %neg3A_32 : f32 to vector<200x32xf32>
    %neg3A_34 = arith.subf %neg3A_33, %log3A_31 : vector<200x32xf32>
    %add3A_35 = arith.addf %dot_general3A_13, %neg3A_34 : vector<200x32xf32>
    %mul3A_36 = vector.broadcast %div3A_18 : f32 to vector<200x32xf32>
    %mul3A_37 = arith.mulf %add3A_35, %mul3A_36 : vector<200x32xf32>
    %reduce_max3A = arith.constant dense<0xFF800000> : vector<200xf32>
    %reduce_max3A_38 = vector.multi_reduction <maximumf>, %mul3A_37, %reduce_max3A [1] : vector<200x32xf32> to vector<200xf32>
    %broadcast_in_dim3A = vector.shape_cast %reduce_max3A_38 : vector<200xf32> to vector<200x1xf32>
    %sub3A = vector.broadcast %broadcast_in_dim3A : vector<200x1xf32> to vector<200x32xf32>
    %sub3A_39 = arith.subf %mul3A_37, %sub3A : vector<200x32xf32>
    %exp3A = math.exp %sub3A_39 : vector<200x32xf32>
    %reduce_sum3A = arith.constant dense<0.000000e+00> : vector<200xf32>
    %reduce_sum3A_40 = vector.multi_reduction <add>, %exp3A, %reduce_sum3A [1] : vector<200x32xf32> to vector<200xf32>
    %broadcast_in_dim3A_41 = vector.shape_cast %reduce_sum3A_40 : vector<200xf32> to vector<200x1xf32>
    %div3A_42 = vector.broadcast %broadcast_in_dim3A_41 : vector<200x1xf32> to vector<200x32xf32>
    %div3A_43 = arith.divf %exp3A, %div3A_42 : vector<200x32xf32>
    %broadcast_in_dim3A_44 = arith.constant 0.000000e+00 : f32
    %broadcast_in_dim3A_45 = vector.broadcast %broadcast_in_dim3A_44 : f32 to vector<200x32xf32>
    %slice3A = vector.extract_strided_slice %div3A_43 {offsets = [0, 0], sizes = [200, 1], strides = [1, 1]} : vector<200x32xf32> to vector<200x1xf32>
    %gt3A = vector.broadcast %slice3A : vector<200x1xf32> to vector<200x32xf32>
    %gt3A_46 = arith.cmpf ogt, %gt3A, %div3A_43 : vector<200x32xf32>
    %convert_element_type3A = arith.extui %gt3A_46 : vector<200x32xi1> to vector<200x32xi32>
    %convert_element_type3A_47 = arith.sitofp %convert_element_type3A : vector<200x32xi32> to vector<200x32xf32>
    %add3A_48 = arith.addf %broadcast_in_dim3A_45, %convert_element_type3A_47 : vector<200x32xf32>
    %slice3A_49 = vector.extract_strided_slice %div3A_43 {offsets = [0, 1], sizes = [200, 1], strides = [1, 1]} : vector<200x32xf32> to vector<200x1xf32>
    %gt3A_50 = vector.broadcast %slice3A_49 : vector<200x1xf32> to vector<200x32xf32>
    %gt3A_51 = arith.cmpf ogt, %gt3A_50, %div3A_43 : vector<200x32xf32>
    %convert_element_type3A_52 = arith.extui %gt3A_51 : vector<200x32xi1> to vector<200x32xi32>
    %convert_element_type3A_53 = arith.sitofp %convert_element_type3A_52 : vector<200x32xi32> to vector<200x32xf32>
    %add3A_54 = arith.addf %add3A_48, %convert_element_type3A_53 : vector<200x32xf32>
    %slice3A_55 = vector.extract_strided_slice %div3A_43 {offsets = [0, 2], sizes = [200, 1], strides = [1, 1]} : vector<200x32xf32> to vector<200x1xf32>
    %gt3A_56 = vector.broadcast %slice3A_55 : vector<200x1xf32> to vector<200x32xf32>
    %gt3A_57 = arith.cmpf ogt, %gt3A_56, %div3A_43 : vector<200x32xf32>
    %convert_element_type3A_58 = arith.extui %gt3A_57 : vector<200x32xi1> to vector<200x32xi32>
    %convert_element_type3A_59 = arith.sitofp %convert_element_type3A_58 : vector<200x32xi32> to vector<200x32xf32>
    %add3A_60 = arith.addf %add3A_54, %convert_element_type3A_59 : vector<200x32xf32>
    %slice3A_61 = vector.extract_strided_slice %div3A_43 {offsets = [0, 3], sizes = [200, 1], strides = [1, 1]} : vector<200x32xf32> to vector<200x1xf32>
    %gt3A_62 = vector.broadcast %slice3A_61 : vector<200x1xf32> to vector<200x32xf32>
    %gt3A_63 = arith.cmpf ogt, %gt3A_62, %div3A_43 : vector<200x32xf32>
    %convert_element_type3A_64 = arith.extui %gt3A_63 : vector<200x32xi1> to vector<200x32xi32>
    %convert_element_type3A_65 = arith.sitofp %convert_element_type3A_64 : vector<200x32xi32> to vector<200x32xf32>
    %add3A_66 = arith.addf %add3A_60, %convert_element_type3A_65 : vector<200x32xf32>
    %slice3A_67 = vector.extract_strided_slice %div3A_43 {offsets = [0, 4], sizes = [200, 1], strides = [1, 1]} : vector<200x32xf32> to vector<200x1xf32>
    %gt3A_68 = vector.broadcast %slice3A_67 : vector<200x1xf32> to vector<200x32xf32>
    %gt3A_69 = arith.cmpf ogt, %gt3A_68, %div3A_43 : vector<200x32xf32>
    %convert_element_type3A_70 = arith.extui %gt3A_69 : vector<200x32xi1> to vector<200x32xi32>
    %convert_element_type3A_71 = arith.sitofp %convert_element_type3A_70 : vector<200x32xi32> to vector<200x32xf32>
    %add3A_72 = arith.addf %add3A_66, %convert_element_type3A_71 : vector<200x32xf32>
    %slice3A_73 = vector.extract_strided_slice %div3A_43 {offsets = [0, 5], sizes = [200, 1], strides = [1, 1]} : vector<200x32xf32> to vector<200x1xf32>
    %gt3A_74 = vector.broadcast %slice3A_73 : vector<200x1xf32> to vector<200x32xf32>
    %gt3A_75 = arith.cmpf ogt, %gt3A_74, %div3A_43 : vector<200x32xf32>
    %convert_element_type3A_76 = arith.extui %gt3A_75 : vector<200x32xi1> to vector<200x32xi32>
    %convert_element_type3A_77 = arith.sitofp %convert_element_type3A_76 : vector<200x32xi32> to vector<200x32xf32>
    %add3A_78 = arith.addf %add3A_72, %convert_element_type3A_77 : vector<200x32xf32>
    %slice3A_79 = vector.extract_strided_slice %div3A_43 {offsets = [0, 6], sizes = [200, 1], strides = [1, 1]} : vector<200x32xf32> to vector<200x1xf32>
    %gt3A_80 = vector.broadcast %slice3A_79 : vector<200x1xf32> to vector<200x32xf32>
    %gt3A_81 = arith.cmpf ogt, %gt3A_80, %div3A_43 : vector<200x32xf32>
    %convert_element_type3A_82 = arith.extui %gt3A_81 : vector<200x32xi1> to vector<200x32xi32>
    %convert_element_type3A_83 = arith.sitofp %convert_element_type3A_82 : vector<200x32xi32> to vector<200x32xf32>
    %add3A_84 = arith.addf %add3A_78, %convert_element_type3A_83 : vector<200x32xf32>
    %slice3A_85 = vector.extract_strided_slice %div3A_43 {offsets = [0, 7], sizes = [200, 1], strides = [1, 1]} : vector<200x32xf32> to vector<200x1xf32>
    %gt3A_86 = vector.broadcast %slice3A_85 : vector<200x1xf32> to vector<200x32xf32>
    %gt3A_87 = arith.cmpf ogt, %gt3A_86, %div3A_43 : vector<200x32xf32>
    %convert_element_type3A_88 = arith.extui %gt3A_87 : vector<200x32xi1> to vector<200x32xi32>
    %convert_element_type3A_89 = arith.sitofp %convert_element_type3A_88 : vector<200x32xi32> to vector<200x32xf32>
    %add3A_90 = arith.addf %add3A_84, %convert_element_type3A_89 : vector<200x32xf32>
    %slice3A_91 = vector.extract_strided_slice %div3A_43 {offsets = [0, 8], sizes = [200, 1], strides = [1, 1]} : vector<200x32xf32> to vector<200x1xf32>
    %gt3A_92 = vector.broadcast %slice3A_91 : vector<200x1xf32> to vector<200x32xf32>
    %gt3A_93 = arith.cmpf ogt, %gt3A_92, %div3A_43 : vector<200x32xf32>
    %convert_element_type3A_94 = arith.extui %gt3A_93 : vector<200x32xi1> to vector<200x32xi32>
    %convert_element_type3A_95 = arith.sitofp %convert_element_type3A_94 : vector<200x32xi32> to vector<200x32xf32>
    %add3A_96 = arith.addf %add3A_90, %convert_element_type3A_95 : vector<200x32xf32>
    %slice3A_97 = vector.extract_strided_slice %div3A_43 {offsets = [0, 9], sizes = [200, 1], strides = [1, 1]} : vector<200x32xf32> to vector<200x1xf32>
    %gt3A_98 = vector.broadcast %slice3A_97 : vector<200x1xf32> to vector<200x32xf32>
    %gt3A_99 = arith.cmpf ogt, %gt3A_98, %div3A_43 : vector<200x32xf32>
    %convert_element_type3A_100 = arith.extui %gt3A_99 : vector<200x32xi1> to vector<200x32xi32>
    %convert_element_type3A_101 = arith.sitofp %convert_element_type3A_100 : vector<200x32xi32> to vector<200x32xf32>
    %add3A_102 = arith.addf %add3A_96, %convert_element_type3A_101 : vector<200x32xf32>
    %slice3A_103 = vector.extract_strided_slice %div3A_43 {offsets = [0, 10], sizes = [200, 1], strides = [1, 1]} : vector<200x32xf32> to vector<200x1xf32>
    %gt3A_104 = vector.broadcast %slice3A_103 : vector<200x1xf32> to vector<200x32xf32>
    %gt3A_105 = arith.cmpf ogt, %gt3A_104, %div3A_43 : vector<200x32xf32>
    %convert_element_type3A_106 = arith.extui %gt3A_105 : vector<200x32xi1> to vector<200x32xi32>
    %convert_element_type3A_107 = arith.sitofp %convert_element_type3A_106 : vector<200x32xi32> to vector<200x32xf32>
    %add3A_108 = arith.addf %add3A_102, %convert_element_type3A_107 : vector<200x32xf32>
    %slice3A_109 = vector.extract_strided_slice %div3A_43 {offsets = [0, 11], sizes = [200, 1], strides = [1, 1]} : vector<200x32xf32> to vector<200x1xf32>
    %gt3A_110 = vector.broadcast %slice3A_109 : vector<200x1xf32> to vector<200x32xf32>
    %gt3A_111 = arith.cmpf ogt, %gt3A_110, %div3A_43 : vector<200x32xf32>
    %convert_element_type3A_112 = arith.extui %gt3A_111 : vector<200x32xi1> to vector<200x32xi32>
    %convert_element_type3A_113 = arith.sitofp %convert_element_type3A_112 : vector<200x32xi32> to vector<200x32xf32>
    %add3A_114 = arith.addf %add3A_108, %convert_element_type3A_113 : vector<200x32xf32>
    %slice3A_115 = vector.extract_strided_slice %div3A_43 {offsets = [0, 12], sizes = [200, 1], strides = [1, 1]} : vector<200x32xf32> to vector<200x1xf32>
    %gt3A_116 = vector.broadcast %slice3A_115 : vector<200x1xf32> to vector<200x32xf32>
    %gt3A_117 = arith.cmpf ogt, %gt3A_116, %div3A_43 : vector<200x32xf32>
    %convert_element_type3A_118 = arith.extui %gt3A_117 : vector<200x32xi1> to vector<200x32xi32>
    %convert_element_type3A_119 = arith.sitofp %convert_element_type3A_118 : vector<200x32xi32> to vector<200x32xf32>
    %add3A_120 = arith.addf %add3A_114, %convert_element_type3A_119 : vector<200x32xf32>
    %slice3A_121 = vector.extract_strided_slice %div3A_43 {offsets = [0, 13], sizes = [200, 1], strides = [1, 1]} : vector<200x32xf32> to vector<200x1xf32>
    %gt3A_122 = vector.broadcast %slice3A_121 : vector<200x1xf32> to vector<200x32xf32>
    %gt3A_123 = arith.cmpf ogt, %gt3A_122, %div3A_43 : vector<200x32xf32>
    %convert_element_type3A_124 = arith.extui %gt3A_123 : vector<200x32xi1> to vector<200x32xi32>
    %convert_element_type3A_125 = arith.sitofp %convert_element_type3A_124 : vector<200x32xi32> to vector<200x32xf32>
    %add3A_126 = arith.addf %add3A_120, %convert_element_type3A_125 : vector<200x32xf32>
    %slice3A_127 = vector.extract_strided_slice %div3A_43 {offsets = [0, 14], sizes = [200, 1], strides = [1, 1]} : vector<200x32xf32> to vector<200x1xf32>
    %gt3A_128 = vector.broadcast %slice3A_127 : vector<200x1xf32> to vector<200x32xf32>
    %gt3A_129 = arith.cmpf ogt, %gt3A_128, %div3A_43 : vector<200x32xf32>
    %convert_element_type3A_130 = arith.extui %gt3A_129 : vector<200x32xi1> to vector<200x32xi32>
    %convert_element_type3A_131 = arith.sitofp %convert_element_type3A_130 : vector<200x32xi32> to vector<200x32xf32>
    %add3A_132 = arith.addf %add3A_126, %convert_element_type3A_131 : vector<200x32xf32>
    %slice3A_133 = vector.extract_strided_slice %div3A_43 {offsets = [0, 15], sizes = [200, 1], strides = [1, 1]} : vector<200x32xf32> to vector<200x1xf32>
    %gt3A_134 = vector.broadcast %slice3A_133 : vector<200x1xf32> to vector<200x32xf32>
    %gt3A_135 = arith.cmpf ogt, %gt3A_134, %div3A_43 : vector<200x32xf32>
    %convert_element_type3A_136 = arith.extui %gt3A_135 : vector<200x32xi1> to vector<200x32xi32>
    %convert_element_type3A_137 = arith.sitofp %convert_element_type3A_136 : vector<200x32xi32> to vector<200x32xf32>
    %add3A_138 = arith.addf %add3A_132, %convert_element_type3A_137 : vector<200x32xf32>
    %slice3A_139 = vector.extract_strided_slice %div3A_43 {offsets = [0, 16], sizes = [200, 1], strides = [1, 1]} : vector<200x32xf32> to vector<200x1xf32>
    %gt3A_140 = vector.broadcast %slice3A_139 : vector<200x1xf32> to vector<200x32xf32>
    %gt3A_141 = arith.cmpf ogt, %gt3A_140, %div3A_43 : vector<200x32xf32>
    %convert_element_type3A_142 = arith.extui %gt3A_141 : vector<200x32xi1> to vector<200x32xi32>
    %convert_element_type3A_143 = arith.sitofp %convert_element_type3A_142 : vector<200x32xi32> to vector<200x32xf32>
    %add3A_144 = arith.addf %add3A_138, %convert_element_type3A_143 : vector<200x32xf32>
    %slice3A_145 = vector.extract_strided_slice %div3A_43 {offsets = [0, 17], sizes = [200, 1], strides = [1, 1]} : vector<200x32xf32> to vector<200x1xf32>
    %gt3A_146 = vector.broadcast %slice3A_145 : vector<200x1xf32> to vector<200x32xf32>
    %gt3A_147 = arith.cmpf ogt, %gt3A_146, %div3A_43 : vector<200x32xf32>
    %convert_element_type3A_148 = arith.extui %gt3A_147 : vector<200x32xi1> to vector<200x32xi32>
    %convert_element_type3A_149 = arith.sitofp %convert_element_type3A_148 : vector<200x32xi32> to vector<200x32xf32>
    %add3A_150 = arith.addf %add3A_144, %convert_element_type3A_149 : vector<200x32xf32>
    %slice3A_151 = vector.extract_strided_slice %div3A_43 {offsets = [0, 18], sizes = [200, 1], strides = [1, 1]} : vector<200x32xf32> to vector<200x1xf32>
    %gt3A_152 = vector.broadcast %slice3A_151 : vector<200x1xf32> to vector<200x32xf32>
    %gt3A_153 = arith.cmpf ogt, %gt3A_152, %div3A_43 : vector<200x32xf32>
    %convert_element_type3A_154 = arith.extui %gt3A_153 : vector<200x32xi1> to vector<200x32xi32>
    %convert_element_type3A_155 = arith.sitofp %convert_element_type3A_154 : vector<200x32xi32> to vector<200x32xf32>
    %add3A_156 = arith.addf %add3A_150, %convert_element_type3A_155 : vector<200x32xf32>
    %slice3A_157 = vector.extract_strided_slice %div3A_43 {offsets = [0, 19], sizes = [200, 1], strides = [1, 1]} : vector<200x32xf32> to vector<200x1xf32>
    %gt3A_158 = vector.broadcast %slice3A_157 : vector<200x1xf32> to vector<200x32xf32>
    %gt3A_159 = arith.cmpf ogt, %gt3A_158, %div3A_43 : vector<200x32xf32>
    %convert_element_type3A_160 = arith.extui %gt3A_159 : vector<200x32xi1> to vector<200x32xi32>
    %convert_element_type3A_161 = arith.sitofp %convert_element_type3A_160 : vector<200x32xi32> to vector<200x32xf32>
    %add3A_162 = arith.addf %add3A_156, %convert_element_type3A_161 : vector<200x32xf32>
    %slice3A_163 = vector.extract_strided_slice %div3A_43 {offsets = [0, 20], sizes = [200, 1], strides = [1, 1]} : vector<200x32xf32> to vector<200x1xf32>
    %gt3A_164 = vector.broadcast %slice3A_163 : vector<200x1xf32> to vector<200x32xf32>
    %gt3A_165 = arith.cmpf ogt, %gt3A_164, %div3A_43 : vector<200x32xf32>
    %convert_element_type3A_166 = arith.extui %gt3A_165 : vector<200x32xi1> to vector<200x32xi32>
    %convert_element_type3A_167 = arith.sitofp %convert_element_type3A_166 : vector<200x32xi32> to vector<200x32xf32>
    %add3A_168 = arith.addf %add3A_162, %convert_element_type3A_167 : vector<200x32xf32>
    %slice3A_169 = vector.extract_strided_slice %div3A_43 {offsets = [0, 21], sizes = [200, 1], strides = [1, 1]} : vector<200x32xf32> to vector<200x1xf32>
    %gt3A_170 = vector.broadcast %slice3A_169 : vector<200x1xf32> to vector<200x32xf32>
    %gt3A_171 = arith.cmpf ogt, %gt3A_170, %div3A_43 : vector<200x32xf32>
    %convert_element_type3A_172 = arith.extui %gt3A_171 : vector<200x32xi1> to vector<200x32xi32>
    %convert_element_type3A_173 = arith.sitofp %convert_element_type3A_172 : vector<200x32xi32> to vector<200x32xf32>
    %add3A_174 = arith.addf %add3A_168, %convert_element_type3A_173 : vector<200x32xf32>
    %slice3A_175 = vector.extract_strided_slice %div3A_43 {offsets = [0, 22], sizes = [200, 1], strides = [1, 1]} : vector<200x32xf32> to vector<200x1xf32>
    %gt3A_176 = vector.broadcast %slice3A_175 : vector<200x1xf32> to vector<200x32xf32>
    %gt3A_177 = arith.cmpf ogt, %gt3A_176, %div3A_43 : vector<200x32xf32>
    %convert_element_type3A_178 = arith.extui %gt3A_177 : vector<200x32xi1> to vector<200x32xi32>
    %convert_element_type3A_179 = arith.sitofp %convert_element_type3A_178 : vector<200x32xi32> to vector<200x32xf32>
    %add3A_180 = arith.addf %add3A_174, %convert_element_type3A_179 : vector<200x32xf32>
    %slice3A_181 = vector.extract_strided_slice %div3A_43 {offsets = [0, 23], sizes = [200, 1], strides = [1, 1]} : vector<200x32xf32> to vector<200x1xf32>
    %gt3A_182 = vector.broadcast %slice3A_181 : vector<200x1xf32> to vector<200x32xf32>
    %gt3A_183 = arith.cmpf ogt, %gt3A_182, %div3A_43 : vector<200x32xf32>
    %convert_element_type3A_184 = arith.extui %gt3A_183 : vector<200x32xi1> to vector<200x32xi32>
    %convert_element_type3A_185 = arith.sitofp %convert_element_type3A_184 : vector<200x32xi32> to vector<200x32xf32>
    %add3A_186 = arith.addf %add3A_180, %convert_element_type3A_185 : vector<200x32xf32>
    %slice3A_187 = vector.extract_strided_slice %div3A_43 {offsets = [0, 24], sizes = [200, 1], strides = [1, 1]} : vector<200x32xf32> to vector<200x1xf32>
    %gt3A_188 = vector.broadcast %slice3A_187 : vector<200x1xf32> to vector<200x32xf32>
    %gt3A_189 = arith.cmpf ogt, %gt3A_188, %div3A_43 : vector<200x32xf32>
    %convert_element_type3A_190 = arith.extui %gt3A_189 : vector<200x32xi1> to vector<200x32xi32>
    %convert_element_type3A_191 = arith.sitofp %convert_element_type3A_190 : vector<200x32xi32> to vector<200x32xf32>
    %add3A_192 = arith.addf %add3A_186, %convert_element_type3A_191 : vector<200x32xf32>
    %slice3A_193 = vector.extract_strided_slice %div3A_43 {offsets = [0, 25], sizes = [200, 1], strides = [1, 1]} : vector<200x32xf32> to vector<200x1xf32>
    %gt3A_194 = vector.broadcast %slice3A_193 : vector<200x1xf32> to vector<200x32xf32>
    %gt3A_195 = arith.cmpf ogt, %gt3A_194, %div3A_43 : vector<200x32xf32>
    %convert_element_type3A_196 = arith.extui %gt3A_195 : vector<200x32xi1> to vector<200x32xi32>
    %convert_element_type3A_197 = arith.sitofp %convert_element_type3A_196 : vector<200x32xi32> to vector<200x32xf32>
    %add3A_198 = arith.addf %add3A_192, %convert_element_type3A_197 : vector<200x32xf32>
    %slice3A_199 = vector.extract_strided_slice %div3A_43 {offsets = [0, 26], sizes = [200, 1], strides = [1, 1]} : vector<200x32xf32> to vector<200x1xf32>
    %gt3A_200 = vector.broadcast %slice3A_199 : vector<200x1xf32> to vector<200x32xf32>
    %gt3A_201 = arith.cmpf ogt, %gt3A_200, %div3A_43 : vector<200x32xf32>
    %convert_element_type3A_202 = arith.extui %gt3A_201 : vector<200x32xi1> to vector<200x32xi32>
    %convert_element_type3A_203 = arith.sitofp %convert_element_type3A_202 : vector<200x32xi32> to vector<200x32xf32>
    %add3A_204 = arith.addf %add3A_198, %convert_element_type3A_203 : vector<200x32xf32>
    %slice3A_205 = vector.extract_strided_slice %div3A_43 {offsets = [0, 27], sizes = [200, 1], strides = [1, 1]} : vector<200x32xf32> to vector<200x1xf32>
    %gt3A_206 = vector.broadcast %slice3A_205 : vector<200x1xf32> to vector<200x32xf32>
    %gt3A_207 = arith.cmpf ogt, %gt3A_206, %div3A_43 : vector<200x32xf32>
    %convert_element_type3A_208 = arith.extui %gt3A_207 : vector<200x32xi1> to vector<200x32xi32>
    %convert_element_type3A_209 = arith.sitofp %convert_element_type3A_208 : vector<200x32xi32> to vector<200x32xf32>
    %add3A_210 = arith.addf %add3A_204, %convert_element_type3A_209 : vector<200x32xf32>
    %slice3A_211 = vector.extract_strided_slice %div3A_43 {offsets = [0, 28], sizes = [200, 1], strides = [1, 1]} : vector<200x32xf32> to vector<200x1xf32>
    %gt3A_212 = vector.broadcast %slice3A_211 : vector<200x1xf32> to vector<200x32xf32>
    %gt3A_213 = arith.cmpf ogt, %gt3A_212, %div3A_43 : vector<200x32xf32>
    %convert_element_type3A_214 = arith.extui %gt3A_213 : vector<200x32xi1> to vector<200x32xi32>
    %convert_element_type3A_215 = arith.sitofp %convert_element_type3A_214 : vector<200x32xi32> to vector<200x32xf32>
    %add3A_216 = arith.addf %add3A_210, %convert_element_type3A_215 : vector<200x32xf32>
    %slice3A_217 = vector.extract_strided_slice %div3A_43 {offsets = [0, 29], sizes = [200, 1], strides = [1, 1]} : vector<200x32xf32> to vector<200x1xf32>
    %gt3A_218 = vector.broadcast %slice3A_217 : vector<200x1xf32> to vector<200x32xf32>
    %gt3A_219 = arith.cmpf ogt, %gt3A_218, %div3A_43 : vector<200x32xf32>
    %convert_element_type3A_220 = arith.extui %gt3A_219 : vector<200x32xi1> to vector<200x32xi32>
    %convert_element_type3A_221 = arith.sitofp %convert_element_type3A_220 : vector<200x32xi32> to vector<200x32xf32>
    %add3A_222 = arith.addf %add3A_216, %convert_element_type3A_221 : vector<200x32xf32>
    %slice3A_223 = vector.extract_strided_slice %div3A_43 {offsets = [0, 30], sizes = [200, 1], strides = [1, 1]} : vector<200x32xf32> to vector<200x1xf32>
    %gt3A_224 = vector.broadcast %slice3A_223 : vector<200x1xf32> to vector<200x32xf32>
    %gt3A_225 = arith.cmpf ogt, %gt3A_224, %div3A_43 : vector<200x32xf32>
    %convert_element_type3A_226 = arith.extui %gt3A_225 : vector<200x32xi1> to vector<200x32xi32>
    %convert_element_type3A_227 = arith.sitofp %convert_element_type3A_226 : vector<200x32xi32> to vector<200x32xf32>
    %add3A_228 = arith.addf %add3A_222, %convert_element_type3A_227 : vector<200x32xf32>
    %slice3A_229 = vector.extract_strided_slice %div3A_43 {offsets = [0, 31], sizes = [200, 1], strides = [1, 1]} : vector<200x32xf32> to vector<200x1xf32>
    %gt3A_230 = vector.broadcast %slice3A_229 : vector<200x1xf32> to vector<200x32xf32>
    %gt3A_231 = arith.cmpf ogt, %gt3A_230, %div3A_43 : vector<200x32xf32>
    %convert_element_type3A_232 = arith.extui %gt3A_231 : vector<200x32xi1> to vector<200x32xi32>
    %convert_element_type3A_233 = arith.sitofp %convert_element_type3A_232 : vector<200x32xi32> to vector<200x32xf32>
    %add3A_234 = arith.addf %add3A_228, %convert_element_type3A_233 : vector<200x32xf32>
    %lt3A = vector.broadcast %get3A_20 : f32 to vector<200x32xf32>
    %lt3A_235 = arith.cmpf olt, %add3A_234, %lt3A : vector<200x32xf32>
    %convert_element_type3A_236 = arith.extui %lt3A_235 : vector<200x32xi1> to vector<200x32xi32>
    %convert_element_type3A_237 = arith.sitofp %convert_element_type3A_236 : vector<200x32xi32> to vector<200x32xf32>
    %mul3A_238 = arith.mulf %div3A_43, %convert_element_type3A_237 : vector<200x32xf32>
    %mul3A_239 = arith.constant 3.125000e-02 : f32
    %mul3A_240 = vector.broadcast %mul3A_239 : f32 to vector<200x32xf32>
    %mul3A_241 = arith.mulf %mul3A_238, %mul3A_240 : vector<200x32xf32>
    %get3A_242 = arith.constant 0 : index
    %get3A_243 = arith.constant 0 : index
    %get3A_244 = vector.load %arg8[%get3A_242, %get3A_243] : memref<4096x32xf32, #tpu.memory_space<vmem>>, vector<4096x32xf32>
    %transpose3A = tpu.transpose %get3A_244, [1, 0] : vector<4096x32xf32> -> vector<32x4096xf32>
    %dot_general3A_245 = arith.constant dense<0.000000e+00> : vector<200x4096xf32>
    %dot_general3A_246 = tpu.matmul %mul3A_241, %transpose3A, %dot_general3A_245 {dimension_numbers = #tpu.dot_dimension_numbers<[1], [0], [0], [1], [0, 0, 1, 1], [], []>, transpose_lhs_hint = false} : vector<200x32xf32>, vector<32x4096xf32>, vector<200x4096xf32> -> vector<200x4096xf32>
    %mul3A_247 = arith.mulf %get3A_8, %dot_general3A_246 : vector<200x4096xf32>
    %get3A_248 = arith.constant 0 : index
    %get3A_249 = arith.constant 0 : index
    %get3A_250 = vector.load %arg9[%get3A_248, %get3A_249] : memref<4096x128xf32, #tpu.memory_space<vmem>>, vector<4096x128xf32>
    %dot_general3A_251 = arith.constant dense<0.000000e+00> : vector<200x128xf32>
    %dot_general3A_252 = tpu.matmul %mul3A_247, %get3A_250, %dot_general3A_251 {dimension_numbers = #tpu.dot_dimension_numbers<[1], [0], [0], [1], [0, 0, 1, 1], [], []>, transpose_lhs_hint = false} : vector<200x4096xf32>, vector<4096x128xf32>, vector<200x128xf32> -> vector<200x128xf32>
    %get3A_253 = arith.constant 0 : index
    %get3A_254 = arith.constant 0 : index
    %get3A_255 = vector.load %arg6[%get3A_253, %get3A_254] : memref<128x128xf32, #tpu.memory_space<vmem>>, vector<128x128xf32>
    %dot_general3A_256 = arith.constant dense<0.000000e+00> : vector<200x128xf32>
    %dot_general3A_257 = tpu.matmul %dot_general3A_252, %get3A_255, %dot_general3A_256 {dimension_numbers = #tpu.dot_dimension_numbers<[1], [0], [0], [1], [0, 0, 1, 1], [], []>, transpose_lhs_hint = false} : vector<200x128xf32>, vector<128x128xf32>, vector<200x128xf32> -> vector<200x128xf32>
    %get3A_258 = arith.constant 0 : index
    %get3A_259 = arith.constant 0 : index
    %get3A_260 = vector.load %arg7[%get3A_258, %get3A_259] : memref<128x128xf32, #tpu.memory_space<vmem>>, vector<128x128xf32>
    %dot_general3A_261 = arith.constant dense<0.000000e+00> : vector<200x128xf32>
    %dot_general3A_262 = tpu.matmul %get3A_1, %get3A_260, %dot_general3A_261 {dimension_numbers = #tpu.dot_dimension_numbers<[1], [0], [0], [1], [0, 0, 1, 1], [], []>, transpose_lhs_hint = false} : vector<200x128xf32>, vector<128x128xf32>, vector<200x128xf32> -> vector<200x128xf32>
    %add3A_263 = arith.addf %dot_general3A_262, %dot_general3A_257 : vector<200x128xf32>
    %max3A = arith.constant 0.000000e+00 : f32
    %max3A_264 = vector.broadcast %max3A : f32 to vector<200x128xf32>
    %max3A_265 = arith.maximumf %add3A_263, %max3A_264 : vector<200x128xf32>
    %swap3A_266 = arith.constant 0 : index
    %swap3A_267 = arith.constant 0 : index
    %swap3A_268 = vector.load %arg10[%swap3A_266, %swap3A_267] : memref<200x128xf32, #tpu.memory_space<vmem>>, vector<200x128xf32>
    tpu.vector_store %arg10[%swap3A_266, %swap3A_267], %max3A_265 {strides = array<i32>} : memref<200x128xf32, #tpu.memory_space<vmem>>, vector<200x128xf32>,
    return
  }
  func.func @transform_0(%arg0: i32) -> i32 {
    %c0_i32 = arith.constant 0 : i32
    %c0_i32_0 = arith.constant 0 : i32
    return %c0_i32 : i32
  }
  func.func @transform_1(%arg0: i32) -> (i32, i32) {
    %c0_i32 = arith.constant 0 : i32
    %c0_i32_0 = arith.constant 0 : i32
    return %arg0, %c0_i32 : i32, i32
  }
  func.func @transform_2(%arg0: i32) -> (i32, i32) {
    %c0_i32 = arith.constant 0 : i32
    %c0_i32_0 = arith.constant 0 : i32
    return %arg0, %c0_i32 : i32, i32
  }
  func.func @transform_3(%arg0: i32) -> (i32, i32) {
    %c0_i32 = arith.constant 0 : i32
    %c0_i32_0 = arith.constant 0 : i32
    return %arg0, %c0_i32 : i32, i32
  }
  func.func @transform_4(%arg0: i32) -> (i32, i32) {
    %c0_i32 = arith.constant 0 : i32
    %c0_i32_0 = arith.constant 0 : i32
    %c0_i32_1 = arith.constant 0 : i32
    return %c0_i32, %c0_i32_0 : i32, i32
  }
  func.func @transform_5(%arg0: i32) -> (i32, i32) {
    %c0_i32 = arith.constant 0 : i32
    %c0_i32_0 = arith.constant 0 : i32
    %c0_i32_1 = arith.constant 0 : i32
    return %c0_i32, %c0_i32_0 : i32, i32
  }
  func.func @transform_6(%arg0: i32) -> (i32, i32) {
    %c0_i32 = arith.constant 0 : i32
    %c0_i32_0 = arith.constant 0 : i32
    %c0_i32_1 = arith.constant 0 : i32
    return %c0_i32, %c0_i32_0 : i32, i32
  }
  func.func @transform_7(%arg0: i32) -> (i32, i32) {
    %c0_i32 = arith.constant 0 : i32
    %c0_i32_0 = arith.constant 0 : i32
    %c0_i32_1 = arith.constant 0 : i32
    return %c0_i32, %c0_i32_0 : i32, i32
  }
  func.func @transform_8(%arg0: i32) -> (i32, i32) {
    %c0_i32 = arith.constant 0 : i32
    %c0_i32_0 = arith.constant 0 : i32
    %c0_i32_1 = arith.constant 0 : i32
    return %c0_i32, %c0_i32_0 : i32, i32
  }
  func.func @transform_9(%arg0: i32) -> (i32, i32) {
    %c0_i32 = arith.constant 0 : i32
    %c0_i32_0 = arith.constant 0 : i32
    return %arg0, %c0_i32 : i32, i32
  }
  func.func @transform_10(%arg0: i32) -> (i32, i32) {
    %c0_i32 = arith.constant 0 : i32
    %c0_i32_0 = arith.constant 0 : i32
    return %arg0, %c0_i32 : i32, i32
  }
}

</mosaic_0001>

<sc_bundles>
// kernel: sparse-core-data-format-call.cloned.1.call-start
scs
called_computation_lowered:
.L_overlay_start_0:
0x0: {  	s2 =	sld [smem:$0x3FD9]  }
0x1: {  	s3 =	sld [smem:$0x3FFE];
	_ =	sdelay $0x1  }
0x2: {  	s1 =	srdreg.scid  }
0x3: {  	s0 =	sand.u32 $0x1, s1  }
0x4: {  	s18 =	sshll.u32 s0, $0xA;
	s2 =	sadd.s32 s3, s2  }
0x5: {  	s2 =	sadd.s32 s2, s18  }
0x6: {  	[smem:$0x3FC0] =	sst s2  }
0x7: {  	_ = 	snop  }
0x8: {  	s2 =	sld [smem:$0x3FC8];
	(tm) =	ssettm $0x1  }
0x9: {  	s19 =	sld [smem:$0x3FFB];
	_ =	sdelay $0x3  }
0xa: {  	_ =	strace s19  }
0xb: {  	s3 =	sld [smem:$0x3FFC];
	_ =	sdelay $0x3  }
0xc: {  	_ =	strace s3  }
0xd: {  	s3 =	sld [smem:$0x3FFD];
	_ =	sdelay $0x3  }
0xe: {  	_ =	strace s3  }
0xf: {  	_ =	strace $0x8FFFFFFF  }
0x10: {  	s20 =	sld [smem:$0x3FDB];
	_ =	sdelay $0x1  }
0x11: {  	s4 =	simm.s32 $_scs_section_size  }
0x12: {  	s5 =	simm.s32 $_size__tile_overlayer_lowered;
	s6 =	simm.s32 $_tile_overlayer_lowered  }
0x13: {  	s23 =	simm.s32 $0x1BFF;
	s22 =	sshll.u32 s6, $0x1;
	s3 =	sadd.s32 s4, s20  }
0x14: {  	s7 =	simm.s32 $0x0;
	s21 =	sshll.u32 s5, $0x1;
	s5 =	sadd.s32 s22, s3  }
0x15: {  	[timem:s7], [sflag:s23] =	dma.local [hbm:s5], s21  }
0x16: {  	_ =	swait.ge [sflag:s23], s21  }
0x17: {  	s4 =	ssub.s32 $0x0, s21;
	[sflag:s23] =	ssyncset.done $0x0  }
0x18: {  	[sflag:s23] =	ssyncadd.s32 s4;
	_ =	sdelay $0x1  }
0x19: {  	s24 =	simm.s32 $0x1B8B  }
0x1a: {  	_ =	swait.ge [sflag:s24], $0x1  }
0x1b: {  	[sflag:s24] =	ssyncset.done $0x0  }
0x1c: {  	s26 =	simm.s32 $0x1B8E;
	s25 =	sld [smem:$0x3FFE];
	[sflag:s24] =	ssyncadd.s32 $0xFFFFFFFF  }
0x1d: {  	s27 =	simm.s32 $execute0_lowered;
	[smem:$0x3FD2] =	sst s26  }
0x1e: {  	s5 =	sshll.u32 s27, $0x1;
	_ =	strace $0x80000046;
	[dreg:$0x1] =	wrdreg $0xFFFFFFFF  }
0x1f: {  	s28 =	simm.s32 $_size_execute0_lowered;
	s3 =	sadd.s32 s3, s5;
	[dreg:$0x0] =	wrdreg $0x0  }
0x20: {  	s5 =	sshll.u32 s28, $0x1;
	[dreg:$0x2] =	wrdreg s3  }
0x21: {  	[dreg:$0x3] =	wrdreg s5  }
0x22: {  	[dreg:$0x4] =	wrdreg $0xC0  }
0x23: {  	_ =	task [dreg:s7], $0x5FFFF  }
0x24: {  	[dreg:$0x1] =	wrdreg $0xFFFFFFFF  }
0x25: {  	[dreg:$0x0] =	wrdreg $0x60  }
0x26: {  	[dreg:$0x2] =	wrdreg s2  }
0x27: {  	[dreg:$0x3] =	wrdreg s25  }
0x28: {  	[dreg:$0x4] =	wrdreg $0x9  }
0x29: {  	_ =	task.clear_ibuf [dreg:s7], $0x5FFFF;
	_ =	strace $0x90000046  }
0x2a: {  	s29 =	simm.s32 $0x9;
	_ =	strace $0x80000048  }
0x2b: {  	_ =	swait.ge [sflag:s29], $0x1  }
0x2c: {  	[sflag:s29] =	ssyncadd.s32 $0xFFFFFFFF  }
0x2d: {  	_ =	strace $0x90000048  }
0x2e: {  	_ =	sfence  }
0x2f: {  	s30 =	sld [smem:$0x0];
	_ =	sdelay $0x2  }
0x30: {  	s31 =	sshll.u32 s1, $0xD;
	s1 =	sshrl.u32 s1, $0x2  }
0x31: {  	s3 =	sand.u32 $0x4000, s31;
	s1 =	sadd.s32 s1, s30  }
0x32: {  	s0 =	sor.u32 s3, s0;
	s1 =	sshll.u32 s1, $0x11  }
0x33: {  	s0 =	sor.u32 s1, s0  }
0x34: {  	s0 =	sadd.s32 $0x8F2B, s0  }
0x35: {  	[sflag:s0] =	ssyncadd.remote.s32 $0x1  }
0x36: {  	_ =	sfence.sel $0xFFFF  }
0x37: {  	[dreg:$0x0] =	wrdreg $0xFFFFFFFF;
	(pc) =	sbr.abs _section_cstart, $3  }
0x38: {  	[dreg:$0x1] =	wrdreg $0xFFFFFFFF  }
0x39: {  	_ =	task.clear_ibuf [dreg:s7], $0x2FFFF;
	_ =	strace $0x9FFFFFFF  }
0x3a: {  	(tm) =	ssettm $0x7FFFFFFF  }
0x3b: {  	_ =	shalt  }
tec
execute0_lowered:
.L_overlay_start_1:
0x0: {  	(tag) =	ssettag $0x1  }
0x1: {  	s0 =	srdreg.scid;
	s6 =	rddreg [dreg:$0x0]  }
0x2: {  	s5 =	rddreg [dreg:$0x1];
	s1 =	stileid.u32;
	s30 =	simm.s32 $0x2  }
0x3: {  	s13 =	simm.s32 $0x0;
	s9 =	simm.s32 $0x400;
	s0 =	sshll.u32 s0, $0x2  }
0x4: {  	s10 =	simm.s32 $0x0;
	s14 =	simm.s32 $0x0;
	s2 =	sand.u32 $0x4, s0  }
0x5: {  	s11 =	stileid.u32;
	s12 =	simm.s32 $0x0;
	s3 =	ssub.s32 $0x8, s2  }
0x6: {  	s7 =	ssub.s32 $0x4F1, s1;
	s0 =	rddreg [dreg:$0x2];
	s4 =	sshrl.u32 s3, $0x2  }
.Ltmp0:
0x7: {  	s8 =	sshrl.u32 s3, $0x3;
	s4 =	sand.u32 $0x1, s4;
	(pc) =	sbr.rel .LBB1_1-.Ltmp0, $4  }
0x8: {  	_ =	strace $0x80000047;
	s7 =	sshrl.u32 s7, $0x4;
	s4 =	sadd.s32 s8, s4  }
0x9: {  	s31 =	sshll.u32 s2, $0x9;
	s3 =	simm.s32 $0x1;
	s4 =	smul.u32 s7, s4  }
0xa: {  	s5 =	sadd.s32 $0x1000, s5;
	s6 =	sadd.s32 s6, s31;
	[sflag:s3] =	ssyncpa.u1 $0x0  }
0xb: {  	[sflag:s30] =	ssyncpa.u1 $0x0;
	s8 =	simm.s32 $0x200;
	s7 =	sadd.s32 $0x1, s4  }
.LBB1_7:
0xc: {  	s15 =	sadd.s32 $0x10, s11  }
0xd: {  	p1 =	sgt.s32 s15, $0x4E1  }
0xe: {  	s15 =	smov.u32 @p1 s1;
	p1 =	sne.s32 s12, s7  }
.Ltmp1:
0xf: {  	p0 =	slt.u32 s12, $0x2;
	(pc) =	sbr.rel @!p1 .LBB1_8-.Ltmp1, $4  }
0x10: {  	s13 =	simm.s32 @!p0 $0x2  }
0x11: {  	s16 =	sadd.s32 $0x1, s12;
	s14 =	smov.u32 s11;
	_ =	swait.ge @!p0 [sflag:s13], $0x4000  }
0x12: {  	s10 =	sadd.s32 $0x4000, s10;
	s12 =	smov.u32 s16;
	[sflag:s13] =	ssyncset.done @!p0 $0x0  }
0x13: {  	s11 =	smov.u32 s15;
	[sflag:s13] =	ssyncadd.s32 @!p0 $0xFFFFC000;
	s13 =	smov.u32 s2  }
.LBB1_1:
0x14: {  	p0 =	sge.u32 s12, s4  }
0x15: {  	s15 =	sxor.u32 @!p0 $0xFFFFFFFF, s12  }
0x16: {  	s31 =	sadd.s32 $0xFFFFFFFF, s12;
	s16 =	sshll.u32 @!p0 s11, $0xC;
	s15 =	sshll.u32 @!p0 s15, $0xE  }
0x17: {  	s17 =	simm.s32 @!p0 $0x0;
	s16 =	sadd.s32 @!p0 s16, s6;
	s15 =	sand.u32 @!p0 $0x4000, s15  }
0x18: {  	[tilespmem:s15], [sflag:$0x1] =	stream.linear.gather @!p0 [hbm4b:s16+s17], $0x4000, $0x38;
	[tilespmem:$0x10000] =	vst v63  }
0x19: {  	p0 =	sge.u32 s31, s4  }
.Ltmp2:
0x1a: {  	_ = 	snop;
	(pc) =	sbr.rel @p0 .LBB1_7-.Ltmp2, $1  }
0x1b: {  	_ =	sdelay $0x3  }
0x1c: {  	s16 =	sand.u32 $0x4000, s10  }
0x1d: {  	_ =	swait.ge [sflag:s3], $0x4000;
	s18 =	sshll.u32 s12, $0xE;
	s15 =	sor.u32 $0x8040, s16  }
0x1e: {  	s17 =	sor.u32 $0x40, s16;
	[sflag:s3] =	ssyncset.done $0x0;
	s31 =	sand.u32 $0x4000, s18  }
0x1f: {  	s18 =	simm.s32 $0x0;
	[sflag:s3] =	ssyncadd.s32 $0xFFFFC000;
	s16 =	sor.u32 $0x8000, s31  }
.LBB1_3:
0x20: {  	v0 =	vmov s17;
	_ =	sdelay $0x3  }
0x21: {  	s20 =	simm.s32 $0x0  }
0x22: {  	v6 =	vld.idx.msk [tilespmem:v0+s20+$0x30 ss:$0x1], $0xffff  }
0x23: {  	v7 =	vld.idx.msk [tilespmem:v0+s20+$0xFFFFFFC0 ss:$0x1], $0xffff  }
0x24: {  	v5 =	vld.idx.msk [tilespmem:v0+s20+$0xFFFFFFD0 ss:$0x1], $0xffff  }
0x25: {  	v4 =	vld.idx.msk [tilespmem:v0+s20+$0xFFFFFFE0 ss:$0x1], $0xffff  }
0x26: {  	v3 =	vld.idx.msk [tilespmem:v0+s20+$0xFFFFFFF0 ss:$0x1], $0xffff  }
0x27: {  	v1 =	vld.idx.msk [tilespmem:v0+s20+$0x0 ss:$0x1], $0xffff  }
0x28: {  	v2 =	vld.idx.msk [tilespmem:v0+s20+$0x10 ss:$0x1], $0xffff;
	[tilespmem:s15+$0x30] =	vst v6  }
0x29: {  	s19 =	simm.s32 $0x80;
	s21 =	simm.s32 $0x400;
	[tilespmem:s15+$0xFFFFFFC0] =	vst v7;
	v6 =	vld.idx.msk [tilespmem:v0+s20+$0x20 ss:$0x1], $0xffff;
	s20 =	smov.u32 s15  }
.LBB1_4:
0x2a: {  	p0 =	sne.s32 s21, $0x3E00;
	v7 =	vld.idx.msk [tilespmem:v0+s19+$0x30 ss:$0x1], $0xffff;
	[tilespmem:s20+$0xFFFFFFD0] =	vst v5  }
0x2b: {  	v8 =	vld.idx.msk [tilespmem:v0+s19+$0xFFFFFFC0 ss:$0x1], $0xffff;
	[tilespmem:s20+$0xFFFFFFE0] =	vst v4  }
0x2c: {  	v5 =	vld.idx.msk [tilespmem:v0+s19+$0xFFFFFFD0 ss:$0x1], $0xffff;
	[tilespmem:s20+$0xFFFFFFF0] =	vst v3  }
.Ltmp3:
0x2d: {  	v4 =	vld.idx.msk [tilespmem:v0+s19+$0xFFFFFFE0 ss:$0x1], $0xffff;
	[tilespmem:s20+$0x0] =	vst v1;
	(pc) =	sbr.rel @p0 .LBB1_4-.Ltmp3, $4  }
0x2e: {  	v3 =	vld.idx.msk [tilespmem:v0+s19+$0xFFFFFFF0 ss:$0x1], $0xffff;
	[tilespmem:s20+$0x10] =	vst v2  }
0x2f: {  	v1 =	vld.idx.msk [tilespmem:v0+s19+$0x0 ss:$0x1], $0xffff;
	[tilespmem:s20+$0x20] =	vst v6;
	s20 =	sadd.s32 $0x200, s20  }
0x30: {  	v2 =	vld.idx.msk [tilespmem:v0+s19+$0x10 ss:$0x1], $0xffff;
	[tilespmem:s20+$0x30] =	vst v7  }
0x31: {  	[tilespmem:s20+$0xFFFFFFC0] =	vst v8;
	v6 =	vld.idx.msk [tilespmem:v0+s19+$0x20 ss:$0x1], $0xffff;
	s19 =	sshra.s32 s21, $0x2;
	s21 =	sadd.s32 $0x200, s21  }
0x32: {  	_ =	sdelay $0x2  }
0x33: {  	[tilespmem:s20+$0xFFFFFFD0] =	vst v5  }
0x34: {  	v56 =	vld.idx.msk [tilespmem:v0+s19+$0x30 ss:$0x1], $0xffff;
	[tilespmem:s20+$0xFFFFFFE0] =	vst v4  }
0x35: {  	v57 =	vld.idx.msk [tilespmem:v0+s19+$0xFFFFFFC0 ss:$0x1], $0xffff;
	[tilespmem:s20+$0xFFFFFFF0] =	vst v3  }
0x36: {  	v58 =	vld.idx.msk [tilespmem:v0+s19+$0xFFFFFFD0 ss:$0x1], $0xffff;
	[tilespmem:s20+$0x0] =	vst v1  }
0x37: {  	v59 =	vld.idx.msk [tilespmem:v0+s19+$0xFFFFFFE0 ss:$0x1], $0xffff;
	[tilespmem:s20+$0x10] =	vst v2  }
0x38: {  	v60 =	vld.idx.msk [tilespmem:v0+s19+$0xFFFFFFF0 ss:$0x1], $0xffff;
	s31 =	sadd.s32 $0x200, s20;
	[tilespmem:s20+$0x20] =	vst v6  }
0x39: {  	v61 =	vld.idx.msk [tilespmem:v0+s19+$0x0 ss:$0x1], $0xffff;
	[tilespmem:s31+$0x30] =	vst v56  }
0x3a: {  	v62 =	vld.idx.msk [tilespmem:v0+s19+$0x10 ss:$0x1], $0xffff;
	s18 =	sadd.s32 $0x1, s18;
	[tilespmem:s31+$0xFFFFFFC0] =	vst v57  }
0x3b: {  	v63 =	vld.idx.msk [tilespmem:v0+s19+$0x20 ss:$0x1], $0xffff;
	p0 =	sne.s32 s18, $0x4;
	[tilespmem:s31+$0xFFFFFFD0] =	vst v58  }
.Ltmp4:
0x3c: {  	[tilespmem:s31+$0xFFFFFFE0] =	vst v59;
	(pc) =	sbr.rel @p0 .LBB1_3-.Ltmp4, $4  }
0x3d: {  	[tilespmem:s31+$0xFFFFFFF0] =	vst v60  }
0x3e: {  	[tilespmem:s31+$0x0] =	vst v61  }
0x3f: {  	[tilespmem:s31+$0x10] =	vst v62  }
0x40: {  	s15 =	sadd.s32 $0x80, s15;
	s17 =	sadd.s32 $0x1000, s17;
	[tilespmem:s31+$0x20] =	vst v63  }
.Ltmp5:
0x41: {  	(pc) =	sbr.rel .LBB1_7-.Ltmp5, $4  }
0x42: {  	s14 =	sshll.u32 s14, $0xC  }
0x43: {  	s13 =	sshll.u32 s13, $0x4;
	s14 =	sadd.s32 s5, s14  }
0x44: {  	s13 =	sadd.s32 s13, s14  }
0x45: {  	[hbm4b:s13+s8] =	stream.strided.scatter [tilespmem:s16], [sflag:$0x2], $0x4000, s9, s8, $0x38;
	[tilespmem:$0x10000] =	vst v63  }
.LBB1_8:
0x46: {  	_ =	sfence.sel $0x180000  }
0x47: {  	s2 =	simm.s32 $0x1;
	[bflag:$0x0] =	sbarrier.arrive $0xFFFF  }
0x48: {  	s31 =	simm.s32 $0x2;
	[sflag:s2] =	ssyncpa.u1 $0x1  }
0x49: {  	[sflag:s31] =	ssyncpa.u1 $0x1  }
0x4a: {  	p0 =	sne.s32 s1, $0x0;
	_ =	strace $0x90000047  }
0x4b: {  	s0 =	sadd.s32 @!p0 $0x100000, s0;
	[bflag:$0x2] =	sbarrier.arrive $0xFFFF  }
0x4c: {  	[sflag:s0] =	ssyncadd.tile.s32 @!p0 $0x1;
	_ =	shalt  }
.Lfunc_end1:
_tile_overlayer_lowered:
.L_overlay_start_2:
0x4d: {  	(tag) =	ssettag $0x2  }
0x4e: {  	s0 =	rddreg [dreg:$0x0];
	s2 =	stileid.u32  }
0x4f: {  	s1 =	rddreg [dreg:$0x1];
	p0 =	sne.s32 s2, $0x0  }
0x50: {  	s3 =	rddreg [dreg:$0x2];
	[bflag:$0x3] =	sbarrier.arrive $0xFFFF;
	s2 =	simm.s32 @!p0 $0x1C01  }
0x51: {  	[timem:s3], [sflag:s2] =	dma.local @!p0 [hbm:s0], s1  }
0x52: {  	s0 =	simm.s32 @!p0 $0x1  }
0x53: {  	_ =	swait.ge @!p0 [sflag:s0], s1  }
0x54: {  	s1 =	ssub.s32 @!p0 $0x0, s1;
	[sflag:s0] =	ssyncset.done @!p0 $0x0  }
0x55: {  	[sflag:s0] =	ssyncadd.s32 @!p0 s1  }
0x56: {  	[bflag:$0x3] =	sbarrier.arrive $0xFFFF  }
0x57: {  	_ =	shalt  }

</sc_bundles>
